<compile_context>
chip_gen: v7x
topology: tpu7x:2x2x1
jax: 0.10.2.dev20260603
libtpu: 0.0.44.dev20260713+nightly
codegen_flags: <defaults>
</compile_context>

<pallas_src>
import functools
import math

import jax
import jax.numpy as jnp
from jax import lax
from jax.experimental import pallas as pl
from jax.experimental.pallas import tpu as pltpu
from jax.experimental.pallas import tpu_sc as plsc

B = 2
T = 4096
E = 2048
D = 128
NT = 8
TB = T // NT
NSEL = int(0.1 * T)
S = 512
_F32_INF_BITS = 0x7F800000
_HI = jax.lax.Precision.HIGHEST


def _body_a(idx_ref, wq_ref, qg_ref, pos_ref, idxf_ref, q_s, nrm_s, pos_s):
    t = pl.program_id(1)
    x = idx_ref[0]
    q = jnp.dot(x, wq_ref[...], preferred_element_type=jnp.float32)
    q_s[pl.ds(t * TB, TB), :] = q
    ones_row = jnp.ones((1, D), jnp.float32)
    n2 = jax.lax.dot_general(ones_row, q * q, (((1,), (1,)), ((), ())),
                             preferred_element_type=jnp.float32, precision=_HI)
    nrm_s[pl.ds(t, 1), :] = jnp.sqrt(n2)

    @pl.when(t == NT - 1)
    def _finish():
        norms = nrm_s[...]
        bits = jax.lax.bitcast_convert_type(norms, jnp.int32)

        def bs_body(_, carry):
            lo, hi = carry
            mid = lo + (hi - lo) // 2
            cnt = jnp.sum((bits > mid).astype(jnp.int32))
            big = cnt >= NSEL
            return jnp.where(big, mid, lo), jnp.where(big, hi, mid)

        lo, hi = jax.lax.fori_loop(
            0, 31, bs_body, (jnp.int32(-1), jnp.int32(_F32_INF_BITS)))
        thr = hi
        m_gt = bits > thr
        m_eq = bits == thr

        io_i = jax.lax.broadcasted_iota(jnp.int32, (TB, TB), 0)
        io_j = jax.lax.broadcasted_iota(jnp.int32, (TB, TB), 1)
        tri_l = (io_i <= io_j).astype(jnp.float32)
        ro_i = jax.lax.broadcasted_iota(jnp.int32, (NT, NT), 0)
        ro_j = jax.lax.broadcasted_iota(jnp.int32, (NT, NT), 1)
        tri_s = (ro_j < ro_i).astype(jnp.float32)

        def csum(mb):
            mf = mb.astype(jnp.float32)
            within = jnp.dot(mf, tri_l,
                             preferred_element_type=jnp.float32, precision=_HI)
            off = jnp.dot(tri_s, within[:, TB - 1:TB],
                          preferred_element_type=jnp.float32, precision=_HI)
            return within + off

        n_gt = jnp.sum(m_gt.astype(jnp.int32))
        need = (NSEL - n_gt).astype(jnp.float32)
        sel = m_gt | (m_eq & (csum(m_eq) <= need))
        pos = csum(sel) - 1.0
        pos_s[...] = jnp.where(sel, pos.astype(jnp.int32), -1)
        pos_ref[0] = pos_s[...]

        iota_s = jax.lax.broadcasted_iota(jnp.int32, (S, TB), 0)

        def build_gather(r, acc):
            qa, ia = acc
            pr = pos_s[pl.ds(r, 1), :]
            chunk = (pr == iota_s).astype(jnp.float32)
            rows = pl.ds(r * TB, TB)
            qa = qa + jnp.dot(chunk, q_s[rows, :],
                              preferred_element_type=jnp.float32)
            tcol = (jax.lax.broadcasted_iota(jnp.int32, (TB, 1), 0)
                    + r * TB).astype(jnp.float32)
            ia = ia + jnp.dot(chunk, tcol,
                              preferred_element_type=jnp.float32, precision=_HI)
            return qa, ia

        qg, idxcol = jax.lax.fori_loop(
            0, NT, build_gather,
            (jnp.zeros((S, D), jnp.float32), jnp.zeros((S, 1), jnp.float32)))
        qg_ref[0] = qg
        eye_s = (jax.lax.broadcasted_iota(jnp.int32, (S, S), 0) ==
                 jax.lax.broadcasted_iota(jnp.int32, (S, S), 1)
                 ).astype(jnp.float32)
        idxf_ref[0] = jax.lax.dot_general(
            idxcol, eye_s, (((0,), (0,)), ((), ())),
            preferred_element_type=jnp.float32, precision=_HI)


def _stage_a(index, Wq, interpret):
    return pl.pallas_call(
        _body_a,
        grid=(B, NT),
        in_specs=[
            pl.BlockSpec((1, TB, E), lambda b, t: (b, t, 0)),
            pl.BlockSpec((E, D), lambda b, t: (0, 0)),
        ],
        out_specs=[
            pl.BlockSpec((1, S, D), lambda b, t: (b, 0, 0)),
            pl.BlockSpec((1, NT, TB), lambda b, t: (b, 0, 0)),
            pl.BlockSpec((1, 1, S), lambda b, t: (b, 0, 0)),
        ],
        out_shape=[
            jax.ShapeDtypeStruct((B, S, D), jnp.float32),
            jax.ShapeDtypeStruct((B, NT, TB), jnp.int32),
            jax.ShapeDtypeStruct((B, 1, S), jnp.float32),
        ],
        scratch_shapes=[
            pltpu.VMEM((T, D), jnp.float32),
            pltpu.VMEM((NT, TB), jnp.float32),
            pltpu.VMEM((NT, TB), jnp.int32),
        ],
        interpret=interpret,
    )(index, Wq)


def _sc_gather(table, idx_flat):
    info = plsc.get_sparse_core_info()
    nc, ns = info.num_cores, info.num_subcores
    nw = nc * ns
    rows_per_w = (B * S) // nw
    mesh = plsc.VectorSubcoreMesh(core_axis_name="c", subcore_axis_name="s")

    @functools.partial(
        pl.kernel, mesh=mesh,
        out_type=jax.ShapeDtypeStruct((B * S, E), jnp.float32),
        scratch_types=[
            pltpu.VMEM((rows_per_w,), jnp.int32),
            pltpu.VMEM((rows_per_w, E), jnp.float32),
            pltpu.SemaphoreType.DMA,
        ],
    )
    def gk(table_hbm, idx_hbm, out_hbm, idx_v, rows_v, sem):
        wid = lax.axis_index("s") * nc + lax.axis_index("c")
        base = wid * rows_per_w
        pltpu.sync_copy(idx_hbm.at[pl.ds(base, rows_per_w)], idx_v)
        pltpu.async_copy(table_hbm.at[idx_v], rows_v, sem).wait()
        pltpu.sync_copy(rows_v, out_hbm.at[pl.ds(base, rows_per_w)])

    return gk(table, idx_flat)


def _body_c(g_ref, qg_ref, pos_ref, wk_ref, wv_ref, out_ref):
    g = g_ref[0]
    kg = jnp.dot(g, wk_ref[...], preferred_element_type=jnp.float32)
    vg = jnp.dot(g, wv_ref[...], preferred_element_type=jnp.float32)
    qg = qg_ref[0]

    w = jax.lax.dot_general(qg, kg, (((1,), (1,)), ((), ())),
                            preferred_element_type=jnp.float32)
    w = w * (1.0 / math.sqrt(D))
    colmask = jax.lax.broadcasted_iota(jnp.int32, (S, S), 1) < NSEL
    w = jnp.where(colmask, w, -1e30)
    w = w - jnp.max(w, axis=1, keepdims=True)
    p = jnp.exp(w)
    a = p / jnp.sum(p, axis=1, keepdims=True)
    og = jnp.dot(a, vg, preferred_element_type=jnp.float32)

    iota_s = jax.lax.broadcasted_iota(jnp.int32, (S, TB), 0)

    def scatter(r, _):
        pr = pos_ref[0, pl.ds(r, 1), :]
        chunk = (pr == iota_s).astype(jnp.float32)
        out_ref[0, pl.ds(r * TB, TB), :] = jax.lax.dot_general(
            chunk, og, (((0,), (0,)), ((), ())),
            preferred_element_type=jnp.float32)
        return 0

    jax.lax.fori_loop(0, NT, scatter, 0)


def _stage_c(g, qg, pos, Wk, Wv, interpret):
    return pl.pallas_call(
        _body_c,
        grid=(B,),
        in_specs=[
            pl.BlockSpec((1, S, E), lambda b: (b, 0, 0)),
            pl.BlockSpec((1, S, D), lambda b: (b, 0, 0)),
            pl.BlockSpec((1, NT, TB), lambda b: (b, 0, 0)),
            pl.BlockSpec((E, D), lambda b: (0, 0)),
            pl.BlockSpec((E, D), lambda b: (0, 0)),
        ],
        out_specs=pl.BlockSpec((1, T, D), lambda b: (b, 0, 0)),
        out_shape=jax.ShapeDtypeStruct((B, T, D), jnp.float32),
        interpret=interpret,
    )(g, qg, pos, Wk, Wv)


def kernel(index, Wq, Wk, Wv):
    qg, pos, idxf = _stage_a(index, Wq, False)
    idx_flat = (idxf[:, 0, :].astype(jnp.int32)
                + (jnp.arange(B, dtype=jnp.int32) * T)[:, None]).reshape(B * S)
    g = _sc_gather(index.reshape(B * T, E), idx_flat)
    return _stage_c(g.reshape(B, S, E), qg, pos, Wk, Wv, False)

# --- scband reference (transcript-rebuilt; emitter-appended) ---
"""Pipeline reference for scband-head-24799141167224 (READ-ONLY COPY).

The authoritative reference and input builder live on the scoring server;
editing this copy changes nothing except your own understanding.
"""

import jax, jax.numpy as jnp
import numpy as np
import math

HEAD_SIZE = 128
N_EMBED = 2048
TOP_K_RATIO = 0.1

def setup_inputs(seed: int = 0) -> dict:
    key = jax.random.key(seed)
    k1, k2, k3, k4 = jax.random.split(key, 4)
    index = jax.random.normal(k1, (2, 4096, N_EMBED), dtype=jnp.float32)
    scale = 1.0 / math.sqrt(N_EMBED)
    Wq = jax.random.normal(k2, (N_EMBED, HEAD_SIZE), dtype=jnp.float32) * scale
    Wk = jax.random.normal(k3, (N_EMBED, HEAD_SIZE), dtype=jnp.float32) * scale
    Wv = jax.random.normal(k4, (N_EMBED, HEAD_SIZE), dtype=jnp.float32) * scale
    return {"index": index, "Wq": Wq, "Wk": Wk, "Wv": Wv}

def reference(index, Wq, Wk, Wv):
    # memory defaults to index (self-attention)
    memory = index
    B, T, _ = index.shape
    top_k = int(TOP_K_RATIO * T)
    q = index @ Wq
    k = memory @ Wk
    v = memory @ Wv
    q_norms = jnp.linalg.norm(q, axis=-1)  # [B, T]
    _, top_idx = jax.lax.top_k(q_norms, top_k)  # [B, top_k]
    q_topk = jnp.take_along_axis(q, top_idx[:, :, None], axis=1)
    k_topk = jnp.take_along_axis(k, top_idx[:, :, None], axis=1)
    v_topk = jnp.take_along_axis(v, top_idx[:, :, None], axis=1)
    w = jnp.einsum('bid,bjd->bij', q_topk, k_topk) / math.sqrt(HEAD_SIZE)
    w = w - jnp.max(w, axis=-1, keepdims=True)
    # masked branch skipped: eval mode (self.training=False); dropout is identity in eval
    w = jax.nn.softmax(w, axis=-1)
    out_topk = w @ v_topk  # [B, top_k, D]
    b_idx = jnp.arange(B)[:, None]
    output = jnp.zeros((B, T, HEAD_SIZE), dtype=out_topk.dtype).at[b_idx, top_idx].add(out_topk)
    return output

if __name__ == "__main__":
    import jax
    _d = setup_inputs()
    print(jax.jit(kernel)(*tuple(_d.values())))

</pallas_src>

<mosaic_0001>
#map = affine_map<(d0, d1) -> (0, 0)>
#map1 = affine_map<(d0, d1) -> (0)>
module attributes {stable_mosaic.version = 14 : i64} {
  func.func @gk(%arg0: i32, %arg1: i32, %arg2: memref<8192x2048xf32, #tpu.memory_space<hbm>>, %arg3: memref<1024xi32, #tpu.memory_space<hbm>>, %arg4: memref<1024x2048xf32, #tpu.memory_space<hbm>>, %arg5: memref<32xi32, #tpu.memory_space<vmem>>, %arg6: memref<32x2048xf32, #tpu.memory_space<vmem>>, %arg7: memref<!tpu.dma_semaphore, #tpu.memory_space<semaphore_mem>>) attributes {dimension_semantics = [#tpu.dimension_semantics<core_parallel>, #tpu.dimension_semantics<subcore_parallel>], iteration_bounds = array<i64: 2, 16>, scalar_prefetch = 0 : i64, scratch_operands = 3 : i64, tpu.core_type = #tpu.core_type<sc_vector_subcore>, window_params = [{transform_indices = #map}, {transform_indices = #map1}, {transform_indices = #map}]} {
    %mul3A = arith.constant 2 : i32
    %mul3A_0 = arith.muli %arg1, %mul3A : i32
    %add3A = arith.addi %mul3A_0, %arg0 : i32
    %mul3A_1 = arith.constant 32 : i32
    %mul3A_2 = arith.muli %add3A, %mul3A_1 : i32
    "tpu.region"() ({
      %run_scoped3A = tpu.sem_alloc : memref<!tpu.dma_semaphore, #tpu.memory_space<semaphore_mem>>
      %dma_start3A_7 = tpu.memref_slice %arg3[%mul3A_2] : memref<1024xi32, #tpu.memory_space<hbm>> -> memref<32xi32, #tpu.memory_space<hbm>>
      %dma_start3A_8 = tpu.memref_slice %arg3[%mul3A_2] : memref<1024xi32, #tpu.memory_space<hbm>> -> memref<32xi32, #tpu.memory_space<hbm>>
      tpu.enqueue_dma source(%dma_start3A_8 : memref<32xi32, #tpu.memory_space<hbm>>) target(%arg5 : memref<32xi32, #tpu.memory_space<vmem>>) target_semaphore(%run_scoped3A : memref<!tpu.dma_semaphore, #tpu.memory_space<semaphore_mem>>)
      %dma_wait3A_9 = tpu.memref_slice %arg3[%mul3A_2] : memref<1024xi32, #tpu.memory_space<hbm>> -> memref<32xi32, #tpu.memory_space<hbm>>
      %dma_wait3A_10 = tpu.memref_slice %arg3[%mul3A_2] : memref<1024xi32, #tpu.memory_space<hbm>> -> memref<32xi32, #tpu.memory_space<hbm>>
      tpu.wait_dma2 semaphore(%run_scoped3A : memref<!tpu.dma_semaphore, #tpu.memory_space<semaphore_mem>>) src(%dma_wait3A_10 : memref<32xi32, #tpu.memory_space<hbm>>) dst(%arg5 : memref<32xi32, #tpu.memory_space<vmem>>)
      tpu.yield
    }) : () -> ()
    %dma_start3A = arith.constant 0 : i32
    %dma_start3A_3 = arith.constant 0 : i32
    %dma_start3A_4 = tpu.memref_slice %arg2[%dma_start3A, %dma_start3A_3] : memref<8192x2048xf32, #tpu.memory_space<hbm>> -> memref<8192x2048xf32, #tpu.memory_space<hbm>>
    tpu.enqueue_indirect_dma source(%dma_start3A_4 : memref<8192x2048xf32, #tpu.memory_space<hbm>>) target(%arg6 : memref<32x2048xf32, #tpu.memory_space<vmem>>) offsets(%arg5 : memref<32xi32, #tpu.memory_space<vmem>>) semaphore(%arg7 : memref<!tpu.dma_semaphore, #tpu.memory_space<semaphore_mem>>)
    %dma_wait3A = arith.constant 0 : i32
    %dma_wait3A_5 = arith.constant 0 : i32
    %dma_wait3A_6 = tpu.memref_slice %arg2[%dma_wait3A, %dma_wait3A_5] : memref<8192x2048xf32, #tpu.memory_space<hbm>> -> memref<8192x2048xf32, #tpu.memory_space<hbm>>
    tpu.wait_indirect_dma semaphore(%arg7 : memref<!tpu.dma_semaphore, #tpu.memory_space<semaphore_mem>>) src(%dma_wait3A_6 : memref<8192x2048xf32, #tpu.memory_space<hbm>>) dst(%arg6 : memref<32x2048xf32, #tpu.memory_space<vmem>>)
    "tpu.region"() ({
      %run_scoped3A = tpu.sem_alloc : memref<!tpu.dma_semaphore, #tpu.memory_space<semaphore_mem>>
      %dma_start3A_7 = arith.constant 0 : i32
      %dma_start3A_8 = tpu.memref_slice %arg4[%mul3A_2, %dma_start3A_7] : memref<1024x2048xf32, #tpu.memory_space<hbm>> -> memref<32x2048xf32, #tpu.memory_space<hbm>>
      %dma_start3A_9 = arith.constant 0 : i32
      %dma_start3A_10 = tpu.memref_slice %arg4[%mul3A_2, %dma_start3A_9] : memref<1024x2048xf32, #tpu.memory_space<hbm>> -> memref<32x2048xf32, #tpu.memory_space<hbm>>
      tpu.enqueue_dma source(%arg6 : memref<32x2048xf32, #tpu.memory_space<vmem>>) target(%dma_start3A_10 : memref<32x2048xf32, #tpu.memory_space<hbm>>) target_semaphore(%run_scoped3A : memref<!tpu.dma_semaphore, #tpu.memory_space<semaphore_mem>>)
      %dma_wait3A_11 = arith.constant 0 : i32
      %dma_wait3A_12 = tpu.memref_slice %arg4[%mul3A_2, %dma_wait3A_11] : memref<1024x2048xf32, #tpu.memory_space<hbm>> -> memref<32x2048xf32, #tpu.memory_space<hbm>>
      %dma_wait3A_13 = arith.constant 0 : i32
      %dma_wait3A_14 = tpu.memref_slice %arg4[%mul3A_2, %dma_wait3A_13] : memref<1024x2048xf32, #tpu.memory_space<hbm>> -> memref<32x2048xf32, #tpu.memory_space<hbm>>
      tpu.wait_dma2 semaphore(%run_scoped3A : memref<!tpu.dma_semaphore, #tpu.memory_space<semaphore_mem>>) src(%arg6 : memref<32x2048xf32, #tpu.memory_space<vmem>>) dst(%dma_wait3A_14 : memref<32x2048xf32, #tpu.memory_space<hbm>>)
      tpu.yield
    }) : () -> ()
    return
  }
}

module attributes {stable_mosaic.version = 14 : i64} {
  func.func @_body_a(%arg0: i32, %arg1: i32, %arg2: memref<1x512x2048xf32, #tpu.memory_space<vmem>>, %arg3: memref<2048x128xf32, #tpu.memory_space<vmem>>, %arg4: memref<1x512x128xf32, #tpu.memory_space<vmem>>, %arg5: memref<1x8x512xi32, #tpu.memory_space<vmem>>, %arg6: memref<1x1x512xf32, #tpu.memory_space<vmem>>, %arg7: memref<4096x128xf32, #tpu.memory_space<vmem>>, %arg8: memref<8x512xf32, #tpu.memory_space<vmem>>, %arg9: memref<8x512xi32, #tpu.memory_space<vmem>>) attributes {dimension_semantics = [#tpu.dimension_semantics<arbitrary>, #tpu.dimension_semantics<arbitrary>], iteration_bounds = array<i64: 2, 8>, scalar_prefetch = 0 : i64, scratch_operands = 3 : i64, tpu.core_type = #tpu.core_type<tc>, window_params = [{transform_indices = @transform_0, window_bounds = array<i64: 1, 512, 2048>}, {pipeline_mode = #tpu.pipeline_mode<synchronous>, transform_indices = @transform_1, window_bounds = array<i64: 2048, 128>}, {transform_indices = @transform_2, window_bounds = array<i64: 1, 512, 128>}, {transform_indices = @transform_3, window_bounds = array<i64: 1, 8, 512>}, {transform_indices = @transform_4, window_bounds = array<i64: 1, 1, 512>}]} {
    %get3A = arith.constant 0 : index
    %get3A_0 = arith.constant 0 : index
    %get3A_1 = arith.constant 0 : index
    %get3A_2 = vector.load %arg2[%get3A, %get3A_0, %get3A_1] : memref<1x512x2048xf32, #tpu.memory_space<vmem>>, vector<1x512x2048xf32>
    %get3A_3 = vector.shape_cast %get3A_2 : vector<1x512x2048xf32> to vector<512x2048xf32>
    %get3A_4 = arith.constant 0 : index
    %get3A_5 = arith.constant 0 : index
    %get3A_6 = vector.load %arg3[%get3A_4, %get3A_5] : memref<2048x128xf32, #tpu.memory_space<vmem>>, vector<2048x128xf32>
    %dot_general3A = arith.constant dense<0.000000e+00> : vector<512x128xf32>
    %dot_general3A_7 = tpu.matmul %get3A_3, %get3A_6, %dot_general3A {dimension_numbers = #tpu.dot_dimension_numbers<[1], [0], [0], [1], [0, 0, 1, 1], [], []>, transpose_lhs_hint = false} : vector<512x2048xf32>, vector<2048x128xf32>, vector<512x128xf32> -> vector<512x128xf32>
    %mul3A = arith.constant 512 : i32
    %mul3A_8 = arith.muli %arg1, %mul3A : i32
    %swap3A = arith.index_cast %mul3A_8 : i32 to index
    %swap3A_9 = arith.constant 0 : index
    %swap3A_10 = vector.load %arg7[%swap3A, %swap3A_9] : memref<4096x128xf32, #tpu.memory_space<vmem>>, vector<512x128xf32>
    tpu.vector_store %arg7[%swap3A, %swap3A_9], %dot_general3A_7 {strides = array<i32>} : memref<4096x128xf32, #tpu.memory_space<vmem>>, vector<512x128xf32>,
    %broadcast_in_dim3A = arith.constant 1.000000e+00 : f32
    %broadcast_in_dim3A_11 = vector.broadcast %broadcast_in_dim3A : f32 to vector<1x128xf32>
    %mul3A_12 = arith.mulf %dot_general3A_7, %dot_general3A_7 : vector<512x128xf32>
    %dot_general3A_13 = arith.constant dense<0.000000e+00> : vector<1x512xf32>
    %dot_general3A_14 = tpu.matmul %broadcast_in_dim3A_11, %mul3A_12, %dot_general3A_13 {dimension_numbers = #tpu.dot_dimension_numbers<[1], [1], [0], [0], [0, 0, 1, 0], [], []>, precision = #tpu.contract_precision<fp32>, transpose_lhs_hint = false} : vector<1x128xf32>, vector<512x128xf32>, vector<1x512xf32> -> vector<1x512xf32>
    %sqrt3A = math.sqrt %dot_general3A_14 : vector<1x512xf32>
    %swap3A_15 = arith.index_cast %arg1 : i32 to index
    %swap3A_16 = arith.constant 0 : index
    %swap3A_17 = vector.load %arg8[%swap3A_15, %swap3A_16] : memref<8x512xf32, #tpu.memory_space<vmem>>, vector<1x512xf32>
    tpu.vector_store %arg8[%swap3A_15, %swap3A_16], %sqrt3A {strides = array<i32>} : memref<8x512xf32, #tpu.memory_space<vmem>>, vector<1x512xf32>,
    %eq3A = arith.constant 7 : i32
    %eq3A_18 = arith.cmpi eq, %arg1, %eq3A : i32
    %convert_element_type3A = arith.extui %eq3A_18 : i1 to i32
    %cond3A = arith.constant 0 : i32
    %cond3A_19 = arith.cmpi ne, %convert_element_type3A, %cond3A : i32
    scf.if %cond3A_19 {
      %get3A_20 = arith.constant 0 : index
      %get3A_21 = arith.constant 0 : index
      %get3A_22 = vector.load %arg8[%get3A_20, %get3A_21] : memref<8x512xf32, #tpu.memory_space<vmem>>, vector<8x512xf32>
      %bitcast_convert_type3A = tpu.bitcast %get3A_22 : vector<8x512xf32> -> vector<8x512xi32>
      %scan3A = arith.constant -1 : i32
      %scan3A_23 = arith.constant 2139095040 : i32
      %scan3A_24 = arith.constant 0 : i32
      %scan3A_25 = arith.constant 31 : i32
      %scan3A_26 = arith.addi %scan3A_24, %scan3A_25 : i32
      %scan3A_27 = arith.constant 1 : i32
      %scan3A_28:2 = scf.for %scan3A_111 = %scan3A_24 to %scan3A_26 step %scan3A_27 iter_args(%scan3A_112 = %scan3A, %scan3A_113 = %scan3A_23) -> (i32, i32)  : i32 {
        %sub3A_114 = arith.subi %scan3A_113, %scan3A_112 : i32
        %jit3A_115 = arith.constant 2 : i32
        %div3A = arith.divsi %sub3A_114, %jit3A_115 : i32
        %sign3A = arith.constant 0 : i32
        %sign3A_116 = arith.cmpi sgt, %sub3A_114, %sign3A : i32
        %sign3A_117 = arith.extui %sign3A_116 : i1 to i32
        %sign3A_118 = arith.constant 0 : i32
        %sign3A_119 = arith.cmpi slt, %sub3A_114, %sign3A_118 : i32
        %sign3A_120 = arith.extui %sign3A_119 : i1 to i32
        %sign3A_121 = arith.subi %sign3A_117, %sign3A_120 : i32
        %sign3A_122 = arith.constant 0 : i32
        %sign3A_123 = arith.cmpi sgt, %jit3A_115, %sign3A_122 : i32
        %sign3A_124 = arith.extui %sign3A_123 : i1 to i32
        %sign3A_125 = arith.constant 0 : i32
        %sign3A_126 = arith.cmpi slt, %jit3A_115, %sign3A_125 : i32
        %sign3A_127 = arith.extui %sign3A_126 : i1 to i32
        %sign3A_128 = arith.subi %sign3A_124, %sign3A_127 : i32
        %ne3A = arith.cmpi ne, %sign3A_121, %sign3A_128 : i32
        %rem3A = arith.remsi %sub3A_114, %jit3A_115 : i32
        %ne3A_129 = arith.constant 0 : i32
        %ne3A_130 = arith.cmpi ne, %rem3A, %ne3A_129 : i32
        %and3A_131 = arith.andi %ne3A, %ne3A_130 : i1
        %sub3A_132 = arith.constant 1 : i32
        %sub3A_133 = arith.subi %div3A, %sub3A_132 : i32
        %select_n3A_134 = arith.select %and3A_131, %sub3A_133, %div3A : i32
        %add3A_135 = arith.addi %scan3A_112, %select_n3A_134 : i32
        %gt3A_136 = vector.broadcast %add3A_135 : i32 to vector<8x512xi32>
        %gt3A_137 = arith.cmpi sgt, %bitcast_convert_type3A, %gt3A_136 : vector<8x512xi32>
        %convert_element_type3A_138 = arith.extui %gt3A_137 : vector<8x512xi1> to vector<8x512xi32>
        %reduce_sum3A_139 = vector.shape_cast %convert_element_type3A_138 : vector<8x512xi32> to vector<1x8x512xi32>
        %reduce_sum3A_140 = arith.constant dense<0> : vector<1xi32>
        %reduce_sum3A_141 = vector.multi_reduction <add>, %reduce_sum3A_139, %reduce_sum3A_140 [1, 2] : vector<1x8x512xi32> to vector<1xi32>
        %reduce_sum3A_142 = vector.shape_cast %reduce_sum3A_141 : vector<1xi32> to vector<1x1x1xi32>
        %reduce_sum3A_143 = vector.extract %reduce_sum3A_142[0, 0, 0] : i32 from vector<1x1x1xi32>
        %ge3A = arith.constant 409 : i32
        %ge3A_144 = arith.cmpi sge, %reduce_sum3A_143, %ge3A : i32
        %select_n3A_145 = arith.select %ge3A_144, %add3A_135, %scan3A_112 : i32
        %select_n3A_146 = arith.select %ge3A_144, %scan3A_113, %add3A_135 : i32
        scf.yield %select_n3A_145, %select_n3A_146 : i32, i32
      }
      %gt3A = vector.broadcast %scan3A_28#1 : i32 to vector<8x512xi32>
      %gt3A_29 = arith.cmpi sgt, %bitcast_convert_type3A, %gt3A : vector<8x512xi32>
      %eq3A_30 = vector.broadcast %scan3A_28#1 : i32 to vector<8x512xi32>
      %eq3A_31 = arith.cmpi eq, %bitcast_convert_type3A, %eq3A_30 : vector<8x512xi32>
      %iota3A = tpu.iota {dimensions = array<i32: 0>} : vector<512x512xi32>
      %iota3A_32 = tpu.iota {dimensions = array<i32: 1>} : vector<512x512xi32>
      %le3A = arith.cmpi sle, %iota3A, %iota3A_32 : vector<512x512xi32>
      %convert_element_type3A_33 = arith.extui %le3A : vector<512x512xi1> to vector<512x512xi32>
      %convert_element_type3A_34 = arith.sitofp %convert_element_type3A_33 : vector<512x512xi32> to vector<512x512xf32>
      %iota3A_35 = tpu.iota {dimensions = array<i32: 0>} : vector<8x8xi32>
      %iota3A_36 = tpu.iota {dimensions = array<i32: 1>} : vector<8x8xi32>
      %lt3A = arith.cmpi slt, %iota3A_36, %iota3A_35 : vector<8x8xi32>
      %convert_element_type3A_37 = arith.extui %lt3A : vector<8x8xi1> to vector<8x8xi32>
      %convert_element_type3A_38 = arith.sitofp %convert_element_type3A_37 : vector<8x8xi32> to vector<8x8xf32>
      %convert_element_type3A_39 = arith.extui %gt3A_29 : vector<8x512xi1> to vector<8x512xi32>
      %reduce_sum3A = vector.shape_cast %convert_element_type3A_39 : vector<8x512xi32> to vector<1x8x512xi32>
      %reduce_sum3A_40 = arith.constant dense<0> : vector<1xi32>
      %reduce_sum3A_41 = vector.multi_reduction <add>, %reduce_sum3A, %reduce_sum3A_40 [1, 2] : vector<1x8x512xi32> to vector<1xi32>
      %reduce_sum3A_42 = vector.shape_cast %reduce_sum3A_41 : vector<1xi32> to vector<1x1x1xi32>
      %reduce_sum3A_43 = vector.extract %reduce_sum3A_42[0, 0, 0] : i32 from vector<1x1x1xi32>
      %sub3A = arith.constant 409 : i32
      %sub3A_44 = arith.subi %sub3A, %reduce_sum3A_43 : i32
      %convert_element_type3A_45 = arith.sitofp %sub3A_44 : i32 to f32
      %convert_element_type3A_46 = arith.extui %eq3A_31 : vector<8x512xi1> to vector<8x512xi32>
      %convert_element_type3A_47 = arith.sitofp %convert_element_type3A_46 : vector<8x512xi32> to vector<8x512xf32>
      %dot_general3A_48 = arith.constant dense<0.000000e+00> : vector<8x512xf32>
      %dot_general3A_49 = tpu.matmul %convert_element_type3A_47, %convert_element_type3A_34, %dot_general3A_48 {dimension_numbers = #tpu.dot_dimension_numbers<[1], [0], [0], [1], [0, 0, 1, 1], [], []>, precision = #tpu.contract_precision<fp32>, transpose_lhs_hint = false} : vector<8x512xf32>, vector<512x512xf32>, vector<8x512xf32> -> vector<8x512xf32>
      %slice3A = vector.extract_strided_slice %dot_general3A_49 {offsets = [0, 511], sizes = [8, 1], strides = [1, 1]} : vector<8x512xf32> to vector<8x1xf32>
      %dot_general3A_50 = arith.constant dense<0.000000e+00> : vector<8x1xf32>
      %dot_general3A_51 = tpu.matmul %convert_element_type3A_38, %slice3A, %dot_general3A_50 {dimension_numbers = #tpu.dot_dimension_numbers<[1], [0], [0], [1], [0, 0, 1, 1], [], []>, precision = #tpu.contract_precision<fp32>, transpose_lhs_hint = false} : vector<8x8xf32>, vector<8x1xf32>, vector<8x1xf32> -> vector<8x1xf32>
      %add3A = vector.broadcast %dot_general3A_51 : vector<8x1xf32> to vector<8x512xf32>
      %add3A_52 = arith.addf %dot_general3A_49, %add3A : vector<8x512xf32>
      %le3A_53 = vector.broadcast %convert_element_type3A_45 : f32 to vector<8x512xf32>
      %le3A_54 = arith.cmpf ole, %add3A_52, %le3A_53 : vector<8x512xf32>
      %and3A = arith.andi %eq3A_31, %le3A_54 : vector<8x512xi1>
      %or3A = arith.ori %gt3A_29, %and3A : vector<8x512xi1>
      %convert_element_type3A_55 = arith.extui %or3A : vector<8x512xi1> to vector<8x512xi32>
      %convert_element_type3A_56 = arith.sitofp %convert_element_type3A_55 : vector<8x512xi32> to vector<8x512xf32>
      %dot_general3A_57 = arith.constant dense<0.000000e+00> : vector<8x512xf32>
      %dot_general3A_58 = tpu.matmul %convert_element_type3A_56, %convert_element_type3A_34, %dot_general3A_57 {dimension_numbers = #tpu.dot_dimension_numbers<[1], [0], [0], [1], [0, 0, 1, 1], [], []>, precision = #tpu.contract_precision<fp32>, transpose_lhs_hint = false} : vector<8x512xf32>, vector<512x512xf32>, vector<8x512xf32> -> vector<8x512xf32>
      %slice3A_59 = vector.extract_strided_slice %dot_general3A_58 {offsets = [0, 511], sizes = [8, 1], strides = [1, 1]} : vector<8x512xf32> to vector<8x1xf32>
      %dot_general3A_60 = arith.constant dense<0.000000e+00> : vector<8x1xf32>
      %dot_general3A_61 = tpu.matmul %convert_element_type3A_38, %slice3A_59, %dot_general3A_60 {dimension_numbers = #tpu.dot_dimension_numbers<[1], [0], [0], [1], [0, 0, 1, 1], [], []>, precision = #tpu.contract_precision<fp32>, transpose_lhs_hint = false} : vector<8x8xf32>, vector<8x1xf32>, vector<8x1xf32> -> vector<8x1xf32>
      %add3A_62 = vector.broadcast %dot_general3A_61 : vector<8x1xf32> to vector<8x512xf32>
      %add3A_63 = arith.addf %dot_general3A_58, %add3A_62 : vector<8x512xf32>
      %sub3A_64 = arith.constant 1.000000e+00 : f32
      %sub3A_65 = vector.broadcast %sub3A_64 : f32 to vector<8x512xf32>
      %sub3A_66 = arith.subf %add3A_63, %sub3A_65 : vector<8x512xf32>
      %convert_element_type3A_67 = arith.fptosi %sub3A_66 : vector<8x512xf32> to vector<8x512xi32>
      %jit3A = arith.constant -1 : i32
      %broadcast_in_dim3A_68 = vector.broadcast %jit3A : i32 to vector<8x512xi32>
      %select_n3A = arith.select %or3A, %convert_element_type3A_67, %broadcast_in_dim3A_68 : vector<8x512xi1>, vector<8x512xi32>
      %swap3A_69 = arith.constant 0 : index
      %swap3A_70 = arith.constant 0 : index
      %swap3A_71 = vector.load %arg9[%swap3A_69, %swap3A_70] : memref<8x512xi32, #tpu.memory_space<vmem>>, vector<8x512xi32>
      tpu.vector_store %arg9[%swap3A_69, %swap3A_70], %select_n3A {strides = array<i32>} : memref<8x512xi32, #tpu.memory_space<vmem>>, vector<8x512xi32>,
      %get3A_72 = arith.constant 0 : index
      %get3A_73 = arith.constant 0 : index
      %get3A_74 = vector.load %arg9[%get3A_72, %get3A_73] : memref<8x512xi32, #tpu.memory_space<vmem>>, vector<8x512xi32>
      %swap3A_75 = arith.constant 0 : index
      %swap3A_76 = arith.constant 0 : index
      %swap3A_77 = arith.constant 0 : index
      %swap3A_78 = vector.load %arg5[%swap3A_75, %swap3A_76, %swap3A_77] : memref<1x8x512xi32, #tpu.memory_space<vmem>>, vector<1x8x512xi32>
      %swap3A_79 = vector.shape_cast %swap3A_78 : vector<1x8x512xi32> to vector<8x512xi32>
      %swap3A_80 = vector.shape_cast %get3A_74 : vector<8x512xi32> to vector<1x8x512xi32>
      tpu.vector_store %arg5[%swap3A_75, %swap3A_76, %swap3A_77], %swap3A_80 {strides = array<i32>} : memref<1x8x512xi32, #tpu.memory_space<vmem>>, vector<1x8x512xi32>,
      %iota3A_81 = tpu.iota {dimensions = array<i32: 0>} : vector<512x512xi32>
      %broadcast_in_dim3A_82 = arith.constant 0.000000e+00 : f32
      %broadcast_in_dim3A_83 = vector.broadcast %broadcast_in_dim3A_82 : f32 to vector<512x128xf32>
      %broadcast_in_dim3A_84 = arith.constant 0.000000e+00 : f32
      %broadcast_in_dim3A_85 = vector.broadcast %broadcast_in_dim3A_84 : f32 to vector<512x1xf32>
      %scan3A_86 = arith.constant 0 : i32
      %scan3A_87 = arith.constant 8 : i32
      %scan3A_88 = arith.addi %scan3A_86, %scan3A_87 : i32
      %scan3A_89 = arith.constant 1 : i32
      %scan3A_90:2 = scf.for %scan3A_111 = %scan3A_86 to %scan3A_88 step %scan3A_89 iter_args(%scan3A_112 = %broadcast_in_dim3A_83, %scan3A_113 = %broadcast_in_dim3A_85) -> (vector<512x128xf32>, vector<512x1xf32>)  : i32 {
        %get3A_114 = arith.index_cast %scan3A_111 : i32 to index
        %get3A_115 = arith.constant 0 : index
        %get3A_116 = vector.load %arg9[%get3A_114, %get3A_115] : memref<8x512xi32, #tpu.memory_space<vmem>>, vector<1x512xi32>
        %eq3A_117 = vector.broadcast %get3A_116 : vector<1x512xi32> to vector<512x512xi32>
        %eq3A_118 = arith.cmpi eq, %eq3A_117, %iota3A_81 : vector<512x512xi32>
        %convert_element_type3A_119 = arith.extui %eq3A_118 : vector<512x512xi1> to vector<512x512xi32>
        %convert_element_type3A_120 = arith.sitofp %convert_element_type3A_119 : vector<512x512xi32> to vector<512x512xf32>
        %mul3A_121 = arith.constant 512 : i32
        %mul3A_122 = arith.muli %scan3A_111, %mul3A_121 : i32
        %get3A_123 = arith.index_cast %mul3A_122 : i32 to index
        %get3A_124 = arith.constant 0 : index
        %get3A_125 = vector.load %arg7[%get3A_123, %get3A_124] : memref<4096x128xf32, #tpu.memory_space<vmem>>, vector<512x128xf32>
        %dot_general3A_126 = arith.constant dense<0.000000e+00> : vector<512x128xf32>
        %dot_general3A_127 = tpu.matmul %convert_element_type3A_120, %get3A_125, %dot_general3A_126 {dimension_numbers = #tpu.dot_dimension_numbers<[1], [0], [0], [1], [0, 0, 1, 1], [], []>, transpose_lhs_hint = false} : vector<512x512xf32>, vector<512x128xf32>, vector<512x128xf32> -> vector<512x128xf32>
        %add3A_128 = arith.addf %scan3A_112, %dot_general3A_127 : vector<512x128xf32>
        %iota3A_129 = tpu.iota {dimensions = array<i32: 0>} : vector<512x1xi32>
        %mul3A_130 = arith.constant 512 : i32
        %mul3A_131 = arith.muli %scan3A_111, %mul3A_130 : i32
        %add3A_132 = vector.broadcast %mul3A_131 : i32 to vector<512x1xi32>
        %add3A_133 = arith.addi %iota3A_129, %add3A_132 : vector<512x1xi32>
        %convert_element_type3A_134 = arith.sitofp %add3A_133 : vector<512x1xi32> to vector<512x1xf32>
        %dot_general3A_135 = arith.constant dense<0.000000e+00> : vector<512x1xf32>
        %dot_general3A_136 = tpu.matmul %convert_element_type3A_120, %convert_element_type3A_134, %dot_general3A_135 {dimension_numbers = #tpu.dot_dimension_numbers<[1], [0], [0], [1], [0, 0, 1, 1], [], []>, precision = #tpu.contract_precision<fp32>, transpose_lhs_hint = false} : vector<512x512xf32>, vector<512x1xf32>, vector<512x1xf32> -> vector<512x1xf32>
        %add3A_137 = arith.addf %scan3A_113, %dot_general3A_136 : vector<512x1xf32>
        scf.yield %add3A_128, %add3A_137 : vector<512x128xf32>, vector<512x1xf32>
      }
      %scan3A_91 = arith.constant 8 : i32
      %swap3A_92 = arith.constant 0 : index
      %swap3A_93 = arith.constant 0 : index
      %swap3A_94 = arith.constant 0 : index
      %swap3A_95 = vector.load %arg4[%swap3A_92, %swap3A_93, %swap3A_94] : memref<1x512x128xf32, #tpu.memory_space<vmem>>, vector<1x512x128xf32>
      %swap3A_96 = vector.shape_cast %swap3A_95 : vector<1x512x128xf32> to vector<512x128xf32>
      %swap3A_97 = vector.shape_cast %scan3A_90#0 : vector<512x128xf32> to vector<1x512x128xf32>
      tpu.vector_store %arg4[%swap3A_92, %swap3A_93, %swap3A_94], %swap3A_97 {strides = array<i32>} : memref<1x512x128xf32, #tpu.memory_space<vmem>>, vector<1x512x128xf32>,
      %iota3A_98 = tpu.iota {dimensions = array<i32: 0>} : vector<512x512xi32>
      %iota3A_99 = tpu.iota {dimensions = array<i32: 1>} : vector<512x512xi32>
      %eq3A_100 = arith.cmpi eq, %iota3A_98, %iota3A_99 : vector<512x512xi32>
      %convert_element_type3A_101 = arith.extui %eq3A_100 : vector<512x512xi1> to vector<512x512xi32>
      %convert_element_type3A_102 = arith.sitofp %convert_element_type3A_101 : vector<512x512xi32> to vector<512x512xf32>
      %dot_general3A_103 = arith.constant dense<0.000000e+00> : vector<1x512xf32>
      %dot_general3A_104 = tpu.matmul %scan3A_90#1, %convert_element_type3A_102, %dot_general3A_103 {dimension_numbers = #tpu.dot_dimension_numbers<[0], [0], [1], [1], [0, 1, 1, 1], [], []>, precision = #tpu.contract_precision<fp32>, transpose_lhs_hint = false} : vector<512x1xf32>, vector<512x512xf32>, vector<1x512xf32> -> vector<1x512xf32>
      %swap3A_105 = arith.constant 0 : index
      %swap3A_106 = arith.constant 0 : index
      %swap3A_107 = arith.constant 0 : index
      %swap3A_108 = vector.load %arg6[%swap3A_105, %swap3A_106, %swap3A_107] : memref<1x1x512xf32, #tpu.memory_space<vmem>>, vector<1x1x512xf32>
      %swap3A_109 = vector.shape_cast %swap3A_108 : vector<1x1x512xf32> to vector<1x512xf32>
      %swap3A_110 = vector.shape_cast %dot_general3A_104 : vector<1x512xf32> to vector<1x1x512xf32>
      tpu.vector_store %arg6[%swap3A_105, %swap3A_106, %swap3A_107], %swap3A_110 {strides = array<i32>} : memref<1x1x512xf32, #tpu.memory_space<vmem>>, vector<1x1x512xf32>,
    } else {
    }
    return
  }
  func.func @transform_0(%arg0: i32, %arg1: i32) -> (i32, i32, i32) {
    %c0_i32 = arith.constant 0 : i32
    %c0_i32_0 = arith.constant 0 : i32
    return %arg0, %arg1, %c0_i32 : i32, i32, i32
  }
  func.func @transform_1(%arg0: i32, %arg1: i32) -> (i32, i32) {
    %c0_i32 = arith.constant 0 : i32
    %c0_i32_0 = arith.constant 0 : i32
    %c0_i32_1 = arith.constant 0 : i32
    return %c0_i32, %c0_i32_0 : i32, i32
  }
  func.func @transform_2(%arg0: i32, %arg1: i32) -> (i32, i32, i32) {
    %c0_i32 = arith.constant 0 : i32
    %c0_i32_0 = arith.constant 0 : i32
    %c0_i32_1 = arith.constant 0 : i32
    return %arg0, %c0_i32, %c0_i32_0 : i32, i32, i32
  }
  func.func @transform_3(%arg0: i32, %arg1: i32) -> (i32, i32, i32) {
    %c0_i32 = arith.constant 0 : i32
    %c0_i32_0 = arith.constant 0 : i32
    %c0_i32_1 = arith.constant 0 : i32
    return %arg0, %c0_i32, %c0_i32_0 : i32, i32, i32
  }
  func.func @transform_4(%arg0: i32, %arg1: i32) -> (i32, i32, i32) {
    %c0_i32 = arith.constant 0 : i32
    %c0_i32_0 = arith.constant 0 : i32
    %c0_i32_1 = arith.constant 0 : i32
    return %arg0, %c0_i32, %c0_i32_0 : i32, i32, i32
  }
}

module attributes {stable_mosaic.version = 14 : i64} {
  func.func @_body_c(%arg0: i32, %arg1: memref<1x512x2048xf32, #tpu.memory_space<vmem>>, %arg2: memref<1x512x128xf32, #tpu.memory_space<vmem>>, %arg3: memref<1x8x512xi32, #tpu.memory_space<vmem>>, %arg4: memref<2048x128xf32, #tpu.memory_space<vmem>>, %arg5: memref<2048x128xf32, #tpu.memory_space<vmem>>, %arg6: memref<1x4096x128xf32, #tpu.memory_space<vmem>>) attributes {dimension_semantics = [#tpu.dimension_semantics<arbitrary>], iteration_bounds = array<i64: 2>, scalar_prefetch = 0 : i64, scratch_operands = 0 : i64, tpu.core_type = #tpu.core_type<tc>, window_params = [{transform_indices = @transform_0, window_bounds = array<i64: 1, 512, 2048>}, {transform_indices = @transform_1, window_bounds = array<i64: 1, 512, 128>}, {transform_indices = @transform_2, window_bounds = array<i64: 1, 8, 512>}, {pipeline_mode = #tpu.pipeline_mode<synchronous>, transform_indices = @transform_3, window_bounds = array<i64: 2048, 128>}, {pipeline_mode = #tpu.pipeline_mode<synchronous>, transform_indices = @transform_4, window_bounds = array<i64: 2048, 128>}, {transform_indices = @transform_5, window_bounds = array<i64: 1, 4096, 128>}]} {
    %get3A = arith.constant 0 : index
    %get3A_0 = arith.constant 0 : index
    %get3A_1 = arith.constant 0 : index
    %get3A_2 = vector.load %arg1[%get3A, %get3A_0, %get3A_1] : memref<1x512x2048xf32, #tpu.memory_space<vmem>>, vector<1x512x2048xf32>
    %get3A_3 = vector.shape_cast %get3A_2 : vector<1x512x2048xf32> to vector<512x2048xf32>
    %get3A_4 = arith.constant 0 : index
    %get3A_5 = arith.constant 0 : index
    %get3A_6 = vector.load %arg4[%get3A_4, %get3A_5] : memref<2048x128xf32, #tpu.memory_space<vmem>>, vector<2048x128xf32>
    %dot_general3A = arith.constant dense<0.000000e+00> : vector<512x128xf32>
    %dot_general3A_7 = tpu.matmul %get3A_3, %get3A_6, %dot_general3A {dimension_numbers = #tpu.dot_dimension_numbers<[1], [0], [0], [1], [0, 0, 1, 1], [], []>, transpose_lhs_hint = false} : vector<512x2048xf32>, vector<2048x128xf32>, vector<512x128xf32> -> vector<512x128xf32>
    %get3A_8 = arith.constant 0 : index
    %get3A_9 = arith.constant 0 : index
    %get3A_10 = vector.load %arg5[%get3A_8, %get3A_9] : memref<2048x128xf32, #tpu.memory_space<vmem>>, vector<2048x128xf32>
    %dot_general3A_11 = arith.constant dense<0.000000e+00> : vector<512x128xf32>
    %dot_general3A_12 = tpu.matmul %get3A_3, %get3A_10, %dot_general3A_11 {dimension_numbers = #tpu.dot_dimension_numbers<[1], [0], [0], [1], [0, 0, 1, 1], [], []>, transpose_lhs_hint = false} : vector<512x2048xf32>, vector<2048x128xf32>, vector<512x128xf32> -> vector<512x128xf32>
    %get3A_13 = arith.constant 0 : index
    %get3A_14 = arith.constant 0 : index
    %get3A_15 = arith.constant 0 : index
    %get3A_16 = vector.load %arg2[%get3A_13, %get3A_14, %get3A_15] : memref<1x512x128xf32, #tpu.memory_space<vmem>>, vector<1x512x128xf32>
    %get3A_17 = vector.shape_cast %get3A_16 : vector<1x512x128xf32> to vector<512x128xf32>
    %dot_general3A_18 = arith.constant dense<0.000000e+00> : vector<512x512xf32>
    %dot_general3A_19 = tpu.matmul %get3A_17, %dot_general3A_7, %dot_general3A_18 {dimension_numbers = #tpu.dot_dimension_numbers<[1], [1], [0], [0], [0, 0, 1, 0], [], []>, transpose_lhs_hint = false} : vector<512x128xf32>, vector<512x128xf32>, vector<512x512xf32> -> vector<512x512xf32>
    %mul3A = arith.constant 0.0883883461 : f32
    %mul3A_20 = vector.broadcast %mul3A : f32 to vector<512x512xf32>
    %mul3A_21 = arith.mulf %dot_general3A_19, %mul3A_20 : vector<512x512xf32>
    %iota3A = tpu.iota {dimensions = array<i32: 1>} : vector<512x512xi32>
    %lt3A = arith.constant 409 : i32
    %lt3A_22 = vector.broadcast %lt3A : i32 to vector<512x512xi32>
    %lt3A_23 = arith.cmpi slt, %iota3A, %lt3A_22 : vector<512x512xi32>
    %jit3A = arith.constant -1.000000e+30 : f32
    %broadcast_in_dim3A = vector.broadcast %jit3A : f32 to vector<512x512xf32>
    %select_n3A = arith.select %lt3A_23, %mul3A_21, %broadcast_in_dim3A : vector<512x512xi1>, vector<512x512xf32>
    %reduce_max3A = arith.constant dense<0xFF800000> : vector<512xf32>
    %reduce_max3A_24 = vector.multi_reduction <maximumf>, %select_n3A, %reduce_max3A [1] : vector<512x512xf32> to vector<512xf32>
    %broadcast_in_dim3A_25 = vector.shape_cast %reduce_max3A_24 : vector<512xf32> to vector<512x1xf32>
    %sub3A = vector.broadcast %broadcast_in_dim3A_25 : vector<512x1xf32> to vector<512x512xf32>
    %sub3A_26 = arith.subf %select_n3A, %sub3A : vector<512x512xf32>
    %exp3A = math.exp %sub3A_26 : vector<512x512xf32>
    %reduce_sum3A = arith.constant dense<0.000000e+00> : vector<512xf32>
    %reduce_sum3A_27 = vector.multi_reduction <add>, %exp3A, %reduce_sum3A [1] : vector<512x512xf32> to vector<512xf32>
    %broadcast_in_dim3A_28 = vector.shape_cast %reduce_sum3A_27 : vector<512xf32> to vector<512x1xf32>
    %div3A = vector.broadcast %broadcast_in_dim3A_28 : vector<512x1xf32> to vector<512x512xf32>
    %div3A_29 = arith.divf %exp3A, %div3A : vector<512x512xf32>
    %dot_general3A_30 = arith.constant dense<0.000000e+00> : vector<512x128xf32>
    %dot_general3A_31 = tpu.matmul %div3A_29, %dot_general3A_12, %dot_general3A_30 {dimension_numbers = #tpu.dot_dimension_numbers<[1], [0], [0], [1], [0, 0, 1, 1], [], []>, transpose_lhs_hint = false} : vector<512x512xf32>, vector<512x128xf32>, vector<512x128xf32> -> vector<512x128xf32>
    %iota3A_32 = tpu.iota {dimensions = array<i32: 0>} : vector<512x512xi32>
    %scan3A = arith.constant 0 : i32
    %scan3A_33 = arith.constant 8 : i32
    %scan3A_34 = arith.addi %scan3A, %scan3A_33 : i32
    %scan3A_35 = arith.constant 1 : i32
    scf.for %scan3A_37 = %scan3A to %scan3A_34 step %scan3A_35  : i32 {
      %get3A_38 = arith.constant 0 : index
      %get3A_39 = arith.index_cast %scan3A_37 : i32 to index
      %get3A_40 = arith.constant 0 : index
      %get3A_41 = vector.load %arg3[%get3A_38, %get3A_39, %get3A_40] : memref<1x8x512xi32, #tpu.memory_space<vmem>>, vector<1x1x512xi32>
      %get3A_42 = vector.shape_cast %get3A_41 : vector<1x1x512xi32> to vector<1x512xi32>
      %eq3A = vector.broadcast %get3A_42 : vector<1x512xi32> to vector<512x512xi32>
      %eq3A_43 = arith.cmpi eq, %eq3A, %iota3A_32 : vector<512x512xi32>
      %convert_element_type3A = arith.extui %eq3A_43 : vector<512x512xi1> to vector<512x512xi32>
      %convert_element_type3A_44 = arith.sitofp %convert_element_type3A : vector<512x512xi32> to vector<512x512xf32>
      %dot_general3A_45 = arith.constant dense<0.000000e+00> : vector<512x128xf32>
      %dot_general3A_46 = tpu.matmul %convert_element_type3A_44, %dot_general3A_31, %dot_general3A_45 {dimension_numbers = #tpu.dot_dimension_numbers<[0], [0], [1], [1], [0, 1, 1, 1], [], []>, transpose_lhs_hint = false} : vector<512x512xf32>, vector<512x128xf32>, vector<512x128xf32> -> vector<512x128xf32>
      %mul3A_47 = arith.constant 512 : i32
      %mul3A_48 = arith.muli %scan3A_37, %mul3A_47 : i32
      %swap3A = arith.constant 0 : index
      %swap3A_49 = arith.index_cast %mul3A_48 : i32 to index
      %swap3A_50 = arith.constant 0 : index
      %swap3A_51 = vector.load %arg6[%swap3A, %swap3A_49, %swap3A_50] : memref<1x4096x128xf32, #tpu.memory_space<vmem>>, vector<1x512x128xf32>
      %swap3A_52 = vector.shape_cast %swap3A_51 : vector<1x512x128xf32> to vector<512x128xf32>
      %swap3A_53 = vector.shape_cast %dot_general3A_46 : vector<512x128xf32> to vector<1x512x128xf32>
      tpu.vector_store %arg6[%swap3A, %swap3A_49, %swap3A_50], %swap3A_53 {strides = array<i32>} : memref<1x4096x128xf32, #tpu.memory_space<vmem>>, vector<1x512x128xf32>,
    }
    %scan3A_36 = arith.constant 8 : i32
    return
  }
  func.func @transform_0(%arg0: i32) -> (i32, i32, i32) {
    %c0_i32 = arith.constant 0 : i32
    %c0_i32_0 = arith.constant 0 : i32
    %c0_i32_1 = arith.constant 0 : i32
    return %arg0, %c0_i32, %c0_i32_0 : i32, i32, i32
  }
  func.func @transform_1(%arg0: i32) -> (i32, i32, i32) {
    %c0_i32 = arith.constant 0 : i32
    %c0_i32_0 = arith.constant 0 : i32
    %c0_i32_1 = arith.constant 0 : i32
    return %arg0, %c0_i32, %c0_i32_0 : i32, i32, i32
  }
  func.func @transform_2(%arg0: i32) -> (i32, i32, i32) {
    %c0_i32 = arith.constant 0 : i32
    %c0_i32_0 = arith.constant 0 : i32
    %c0_i32_1 = arith.constant 0 : i32
    return %arg0, %c0_i32, %c0_i32_0 : i32, i32, i32
  }
  func.func @transform_3(%arg0: i32) -> (i32, i32) {
    %c0_i32 = arith.constant 0 : i32
    %c0_i32_0 = arith.constant 0 : i32
    %c0_i32_1 = arith.constant 0 : i32
    return %c0_i32, %c0_i32_0 : i32, i32
  }
  func.func @transform_4(%arg0: i32) -> (i32, i32) {
    %c0_i32 = arith.constant 0 : i32
    %c0_i32_0 = arith.constant 0 : i32
    %c0_i32_1 = arith.constant 0 : i32
    return %c0_i32, %c0_i32_0 : i32, i32
  }
  func.func @transform_5(%arg0: i32) -> (i32, i32, i32) {
    %c0_i32 = arith.constant 0 : i32
    %c0_i32_0 = arith.constant 0 : i32
    %c0_i32_1 = arith.constant 0 : i32
    return %arg0, %c0_i32, %c0_i32_0 : i32, i32, i32
  }
}

</mosaic_0001>

<sc_bundles>
// kernel: kernel.5.cloned.1.call-start
scs
__scs_entry_jumppad:
0x0: {  	(pc) =	sbr.rel $0x88, $3  }
0x1: {  	(tag) =	ssettag $0x0;
	lr =	simm.s32 $0x1  }
0x2: {  	[smem:$0x3F9D] =	sst lr;
	_ =	strace $0xD0000000  }
0x3: {  	_ = 	snop  }
0x4: {  	_ = 	snop  }
0x5: {  	_ = 	snop  }
0x6: {  	_ = 	snop  }
0x7: {  	_ = 	snop  }
__scs_overlays_trampoline_lowered:
0x8: {  	[smem:$0x3FAC] =	sst s0  }
0x9: {  	[smem:$0x3FAD] =	sst s1  }
0xa: {  	[smem:$0x3FAE] =	sst s2  }
0xb: {  	[smem:$0x3FAF] =	sst s3  }
0xc: {  	[smem:$0x3FB0] =	sst s4  }
0xd: {  	[smem:$0x3FB1] =	sst s5  }
0xe: {  	[smem:$0x3FB2] =	sst s6  }
0xf: {  	[smem:$0x3FB3] =	sst s7  }
0x10: {  	[smem:$0x3FB4] =	sst s8  }
0x11: {  	[smem:$0x3FB5] =	sst s9;
	s0 =	simm.s32 @!p0 $0x0  }
0x12: {  	s1 =	sld [smem:$0x3F9B];
	s0 =	simm.s32 @p0 $0x1  }
0x13: {  	[smem:$0x3FB6] =	sst s0;
	s0 =	simm.s32 @!p1 $0x0  }
0x14: {  	s2 =	sld [smem:$0x3F9A];
	s0 =	simm.s32 @p1 $0x1  }
0x15: {  	[smem:$0x3FB7] =	sst s0;
	s0 =	simm.s32 @!p2 $0x0  }
0x16: {  	s3 =	sld [smem:$0x3FDB];
	s0 =	simm.s32 @p2 $0x1  }
0x17: {  	s4 =	simm.s32 $0x1BF5;
	[smem:$0x3FB9] =	sst s0  }
0x18: {  	s0 =	sld [smem:$0x3F9C];
	_ =	swait.ge [sflag:s4], $0x0  }
0x19: {  	s7 =	sld [smem:$0x3F9D]  }
0x1a: {  	s8 =	sadd.s32 $0xFFFFE003, lr  }
0x1b: {  	s9 =	sadd.s32 $0xFFFFFEF7, lr;
	s5 =	simm.s32 $0xFFFFFFFF;
	p2 =	slt.u32 s8, $0xFFFFF086  }
0x1c: {  	p1 =	slt.u32 s9, $0xF7A;
	s5 =	simm.s32 @!p2 $0x0  }
0x1d: {  	s5 =	simm.s32 @p1 $0x1;
	p0 =	seq.s32 s7, s2  }
0x1e: {  	s7 =	smul.u32 @!p0 $0xF7A, s2;
	p2 =	seq.s32 @!p0 s5, $0x0  }
0x1f: {  	s9 =	smul.u32 $0xF7A, s1;
	s8 =	simm.s32 @!p0 $0x1BF5;
	p2 =	por !p2, p0  }
0x20: {  	[sflag:s8] =	ssyncset.s32 @!p0 $0xFFFFF086;
	s6 =	sadd.s32 @!p0 s3, s7;
	s7 =	simm.s32 @!p0 $0x108  }
0x21: {  	s3 =	sadd.s32 s3, s9;
	s6 =	sadd.s32 @!p0 $0x88, s6;
	s7 =	simm.s32 @p2 $0x1082  }
0x22: {  	[simem:s7], [sflag:s8] =	dma.local @!p0 [hbm:s6], $0xF7A  }
0x23: {  	s9 =	sor.u32 $0xD0000000, s2;
	s6 =	simm.s32 $0x108;
	_ =	swait.ge @!p0 [sflag:s8], $0x0  }
0x24: {  	s3 =	sadd.s32 $0x88, s3;
	s6 =	simm.s32 @!p1 $0x1082;
	[sflag:s4] =	ssyncset.s32 $0xFFFFF086  }
0x25: {  	[simem:s6], [sflag:s4] =	dma.local [hbm:s3], $0xF7A  }
0x26: {  	[smem:$0x3F9D] =	sst s1;
	(tag) =	ssettag s2;
	_ =	strace s9  }
0x27: {  	s1 =	sld [smem:$0x3FAD]  }
0x28: {  	s2 =	sld [smem:$0x3FAE]  }
0x29: {  	s4 =	sld [smem:$0x3FB0]  }
0x2a: {  	p0 =	seq.s32 s5, $0x0;
	s5 =	sld [smem:$0x3FB1]  }
0x2b: {  	s6 =	sld [smem:$0x3FB2]  }
0x2c: {  	s7 =	sld [smem:$0x3FB3]  }
0x2d: {  	s3 =	simm.s32 $0x108;
	s8 =	sld [smem:$0x3FB4]  }
0x2e: {  	s3 =	simm.s32 @!p0 $0x1082;
	s9 =	sld [smem:$0x3FB5]  }
0x2f: {  	lr =	sadd.s32 s0, s3;
	s0 =	sld [smem:$0x3FAC]  }
0x30: {  	s3 =	sld [smem:$0x3FAF]  }
0x31: {  	[smem:$0x3FB8] =	sst s10  }
0x32: {  	s10 =	sld [smem:$0x3FB6];
	_ =	sdelay $0x3  }
0x33: {  	p0 =	seq.s32 s10, $0x1;
	s10 =	sld [smem:$0x3FB8];
	_ =	sdelay $0x3  }
0x34: {  	[smem:$0x3FB8] =	sst s10  }
0x35: {  	s10 =	sld [smem:$0x3FB7];
	_ =	sdelay $0x3  }
0x36: {  	p1 =	seq.s32 s10, $0x1;
	s10 =	sld [smem:$0x3FB8];
	_ =	sdelay $0x3  }
0x37: {  	[smem:$0x3FB8] =	sst s10  }
0x38: {  	s10 =	sld [smem:$0x3FB9]  }
0x39: {  	_ = 	snop;
	(pc) =	sbr.ind lr, $3  }
0x3a: {  	_ = 	snop  }
0x3b: {  	_ = 	snop  }
0x3c: {  	p2 =	seq.s32 s10, $0x1;
	s10 =	sld [smem:$0x3FB8]  }
0x3d: {  	_ =	shalt  }
0x3e: {  	_ =	shalt  }
0x3f: {  	_ =	shalt  }
0x40: {  	_ =	shalt  }
0x41: {  	_ =	shalt  }
0x42: {  	_ =	shalt  }
0x43: {  	_ =	shalt  }
0x44: {  	_ =	shalt  }
0x45: {  	_ =	shalt  }
0x46: {  	_ =	shalt  }
0x47: {  	_ =	shalt  }
0x48: {  	_ =	shalt  }
0x49: {  	_ =	shalt  }
0x4a: {  	_ =	shalt  }
0x4b: {  	_ =	shalt  }
0x4c: {  	_ =	shalt  }
0x4d: {  	_ =	shalt  }
0x4e: {  	_ =	shalt  }
0x4f: {  	_ =	shalt  }
0x50: {  	_ =	shalt  }
0x51: {  	_ =	shalt  }
0x52: {  	_ =	shalt  }
0x53: {  	_ =	shalt  }
0x54: {  	_ =	shalt  }
0x55: {  	_ =	shalt  }
0x56: {  	_ =	shalt  }
0x57: {  	_ =	shalt  }
0x58: {  	_ =	shalt  }
0x59: {  	_ =	shalt  }
0x5a: {  	_ =	shalt  }
0x5b: {  	_ =	shalt  }
0x5c: {  	_ =	shalt  }
0x5d: {  	_ =	shalt  }
0x5e: {  	_ =	shalt  }
0x5f: {  	_ =	shalt  }
0x60: {  	_ =	shalt  }
0x61: {  	_ =	shalt  }
0x62: {  	_ =	shalt  }
0x63: {  	_ =	shalt  }
0x64: {  	_ =	shalt  }
0x65: {  	_ =	shalt  }
0x66: {  	_ =	shalt  }
0x67: {  	_ =	shalt  }
0x68: {  	_ =	shalt  }
0x69: {  	_ =	shalt  }
0x6a: {  	_ =	shalt  }
0x6b: {  	_ =	shalt  }
0x6c: {  	_ =	shalt  }
0x6d: {  	_ =	shalt  }
0x6e: {  	_ =	shalt  }
0x6f: {  	_ =	shalt  }
0x70: {  	_ =	shalt  }
0x71: {  	_ =	shalt  }
0x72: {  	_ =	shalt  }
0x73: {  	_ =	shalt  }
0x74: {  	_ =	shalt  }
0x75: {  	_ =	shalt  }
0x76: {  	_ =	shalt  }
0x77: {  	_ =	shalt  }
0x78: {  	_ =	shalt  }
0x79: {  	_ =	shalt  }
0x7a: {  	_ =	shalt  }
0x7b: {  	_ =	shalt  }
0x7c: {  	_ =	shalt  }
0x7d: {  	_ =	shalt  }
0x7e: {  	_ =	shalt  }
0x7f: {  	_ =	shalt  }
0x80: {  	_ =	shalt  }
0x81: {  	_ =	shalt  }
0x82: {  	_ =	shalt  }
0x83: {  	_ =	shalt  }
0x84: {  	_ =	shalt  }
0x85: {  	_ =	shalt  }
0x86: {  	_ =	shalt  }
0x87: {  	_ =	shalt  }
.Lfunc_end0:
.L_simem_size_0:
called_computation_lowered:
.L_overlay_start_0:
0x88: {  	s2 =	sld [smem:$0x3FD9]  }
0x89: {  	s3 =	sld [smem:$0x3FFE];
	_ =	sdelay $0x1  }
0x8a: {  	s1 =	srdreg.scid  }
0x8b: {  	s0 =	sand.u32 $0x1, s1  }
0x8c: {  	s17 =	sshll.u32 s0, $0xA;
	s2 =	sadd.s32 s3, s2  }
0x8d: {  	s2 =	sadd.s32 s2, s17  }
0x8e: {  	[smem:$0x3FC4] =	sst s2  }
0x8f: {  	_ = 	snop  }
0x90: {  	s2 =	sld [smem:$0x3FC9]  }
0x91: {  	s18 =	sld [smem:$0x3FD0];
	(tm) =	ssettm $0x1  }
0x92: {  	s4 =	sld [smem:$0x3FFB];
	_ =	sdelay $0x3  }
0x93: {  	_ =	strace s4  }
0x94: {  	s4 =	sld [smem:$0x3FFC];
	_ =	sdelay $0x3  }
0x95: {  	_ =	strace s4  }
0x96: {  	s4 =	sld [smem:$0x3FFD];
	_ =	sdelay $0x3  }
0x97: {  	_ =	strace s4  }
0x98: {  	_ =	strace $0x8FFFFFFF  }
0x99: {  	s19 =	sld [smem:$0x3FDB];
	_ =	sdelay $0x1  }
0x9a: {  	s5 =	simm.s32 $_scs_section_size  }
0x9b: {  	s6 =	simm.s32 $_size__tile_overlayer_lowered;
	s7 =	simm.s32 $_tile_overlayer_lowered  }
0x9c: {  	s22 =	simm.s32 $0x1BFF;
	s21 =	sshll.u32 s7, $0x1;
	s4 =	sadd.s32 s5, s19  }
0x9d: {  	s8 =	simm.s32 $0x0;
	s20 =	sshll.u32 s6, $0x1;
	s6 =	sadd.s32 s21, s4  }
0x9e: {  	[timem:s8], [sflag:s22] =	dma.local [hbm:s6], s20  }
0x9f: {  	_ =	swait.ge [sflag:s22], s20  }
0xa0: {  	s5 =	ssub.s32 $0x0, s20;
	[sflag:s22] =	ssyncset.done $0x0  }
0xa1: {  	[sflag:s22] =	ssyncadd.s32 s5;
	_ =	sdelay $0x1  }
0xa2: {  	s23 =	simm.s32 $0x1B8B  }
0xa3: {  	_ =	swait.ge [sflag:s23], $0x1  }
0xa4: {  	[sflag:s23] =	ssyncset.done $0x0  }
0xa5: {  	s25 =	simm.s32 $0x1B8E;
	s24 =	sld [smem:$0x3FFE];
	[sflag:s23] =	ssyncadd.s32 $0xFFFFFFFF  }
0xa6: {  	s26 =	simm.s32 $execute0_lowered;
	[smem:$0x3FD2] =	sst s25  }
0xa7: {  	s6 =	sshll.u32 s26, $0x1;
	_ =	strace $0x80000046;
	[dreg:$0x1] =	wrdreg $0xFFFFFFFF  }
0xa8: {  	s28 =	simm.s32 $_size_execute0_lowered;
	s4 =	sadd.s32 s4, s6;
	[dreg:$0x0] =	wrdreg $0x0  }
0xa9: {  	s6 =	sshll.u32 s28, $0x1;
	[dreg:$0x2] =	wrdreg s4  }
0xaa: {  	[dreg:$0x3] =	wrdreg s6  }
0xab: {  	[dreg:$0x4] =	wrdreg $0xC0  }
0xac: {  	_ =	task [dreg:s8], $0x5FFFF  }
0xad: {  	[dreg:$0x1] =	wrdreg $0xFFFFFFFF  }
0xae: {  	[dreg:$0x0] =	wrdreg $0x60  }
0xaf: {  	[dreg:$0x2] =	wrdreg s2  }
0xb0: {  	[dreg:$0x3] =	wrdreg s18  }
0xb1: {  	[dreg:$0x4] =	wrdreg s24  }
0xb2: {  	[dreg:$0x5] =	wrdreg $0x9  }
0xb3: {  	_ =	task.clear_ibuf [dreg:s8], $0x6FFFF;
	_ =	strace $0x90000046  }
0xb4: {  	s29 =	simm.s32 $0x9;
	_ =	strace $0x80000048  }
0xb5: {  	_ =	swait.ge [sflag:s29], $0x1  }
0xb6: {  	[sflag:s29] =	ssyncadd.s32 $0xFFFFFFFF  }
0xb7: {  	_ =	strace $0x90000048  }
0xb8: {  	_ =	sfence  }
0xb9: {  	s30 =	sld [smem:$0x0];
	_ =	sdelay $0x2  }
0xba: {  	s31 =	sshll.u32 s1, $0xD;
	s1 =	sshrl.u32 s1, $0x2  }
0xbb: {  	s3 =	sand.u32 $0x4000, s31;
	s1 =	sadd.s32 s1, s30  }
0xbc: {  	s0 =	sor.u32 s3, s0;
	s1 =	sshll.u32 s1, $0x11  }
0xbd: {  	s0 =	sor.u32 s1, s0  }
0xbe: {  	s0 =	sadd.s32 $0x8F2B, s0  }
0xbf: {  	[sflag:s0] =	ssyncadd.remote.s32 $0x1  }
0xc0: {  	_ =	sfence.sel $0xFFFF  }
0xc1: {  	[dreg:$0x0] =	wrdreg $0xFFFFFFFF;
	(pc) =	sbr.abs _section_cstart, $3  }
0xc2: {  	[dreg:$0x1] =	wrdreg $0xFFFFFFFF  }
0xc3: {  	_ =	task.clear_ibuf [dreg:s8], $0x2FFFF;
	_ =	strace $0x9FFFFFFF  }
0xc4: {  	(tm) =	ssettm $0x7FFFFFFF  }
0xc5: {  	_ =	shalt  }
tec
execute0_lowered:
.L_overlay_start_1:
0x0: {  	(tag) =	ssettag $0x1  }
0x1: {  	s1 =	rddreg [dreg:$0x0]  }
0x2: {  	s4 =	rddreg [dreg:$0x1]  }
0x3: {  	s2 =	srdreg.scid;
	s5 =	rddreg [dreg:$0x2];
	s3 =	simm.s32 $0x0  }
0x4: {  	s0 =	stileid.u32;
	s17 =	simm.s32 $0x880;
	[smem:$0x7FF] =	sst s3  }
0x5: {  	s18 =	simm.s32 $0x1080;
	_ =	strace $0x80000047;
	[dreg:$0x6] =	wrdreg s17  }
0x6: {  	s19 =	simm.s32 $0x1880;
	s20 =	simm.s32 $0x2080;
	[dreg:$0x7] =	wrdreg s18  }
0x7: {  	s22 =	simm.s32 $0x2880;
	s23 =	simm.s32 $0x3080;
	[dreg:$0x8] =	wrdreg s19  }
0x8: {  	s24 =	simm.s32 $0x3880;
	s25 =	simm.s32 $0x4080;
	[dreg:$0x9] =	wrdreg s20  }
0x9: {  	s8 =	simm.s32 $0x4880;
	s9 =	simm.s32 $0x5080;
	[dreg:$0xa] =	wrdreg s22  }
0xa: {  	s10 =	simm.s32 $0x5880;
	s11 =	simm.s32 $0x6080;
	[dreg:$0xb] =	wrdreg s23  }
0xb: {  	s12 =	simm.s32 $0x6880;
	s26 =	simm.s32 $0x7080;
	[dreg:$0xc] =	wrdreg s24  }
0xc: {  	s13 =	simm.s32 $0x80;
	s15 =	simm.s32 $0x8080;
	[dreg:$0xd] =	wrdreg s25  }
0xd: {  	s28 =	simm.s32 $0xE080;
	s29 =	simm.s32 $0xE880;
	[dreg:$0xe] =	wrdreg s8  }
0xe: {  	s30 =	simm.s32 $0xF080;
	s31 =	simm.s32 $0xF880;
	[dreg:$0xf] =	wrdreg s9  }
0xf: {  	s2 =	sand.u32 $0x1, s2;
	s6 =	sshll.u32 s0, $0x6;
	[dreg:$0x10] =	wrdreg s10  }
0x10: {  	s7 =	sshll.u32 s2, $0x5;
	s2 =	ssub.s32 $0x2, s2;
	[dreg:$0x11] =	wrdreg s11  }
0x11: {  	s8 =	sadd.s32 $0x500, s1;
	s9 =	sadd.s32 $0x600, s1;
	[dreg:$0x12] =	wrdreg s12  }
0x12: {  	s10 =	sadd.s32 $0x700, s1;
	s12 =	simm.s32 $0x2;
	[dreg:$0x13] =	wrdreg s26  }
0x13: {  	s17 =	simm.s32 $0x9080;
	s18 =	simm.s32 $0x9880;
	s19 =	simm.s32 $0xA080  }
0x14: {  	s20 =	simm.s32 $0xA880;
	s22 =	simm.s32 $0xB880;
	s23 =	simm.s32 $0xC080  }
0x15: {  	s24 =	simm.s32 $0xC880;
	s25 =	simm.s32 $0xD080;
	s6 =	sor.u32 s7, s6  }
0x16: {  	s26 =	simm.s32 $0xD880;
	s21 =	sshrl.u32 s2, $0x1;
	s7 =	sshll.u32 s6, $0x8  }
0x17: {  	s6 =	sshrl.u32 s6, $0x3;
	s2 =	ssub.s32 s2, s21;
	s21 =	simm.s32 $0xB080  }
0x18: {  	s5 =	sadd.s32 s7, s5;
	s4 =	sadd.s32 s4, s6;
	s6 =	sadd.s32 $0x300, s1  }
0x19: {  	v2 =	vlaneseq.u32;
	s7 =	sadd.s32 $0x400, s1;
	s11 =	smax.u32 s2, $0x1;
	s2 =	simm.s32 $0x1  }
0x1a: {  	vm0 =	vmmov $0xffff;
	v1 =	vshrl.u32 v2, $0x3;
	[dreg:$0x4] =	wrdreg s4;
	s16 =	sadd.s32 $0xE00, s5;
	s4 =	sadd.s32 $0x100, s1  }
0x1b: {  	v0 =	vand.u32 $0x7, v2;
	v2 =	vor.u32 $0x8, v2;
	v1 =	vmul.u32 $0x8, v1;
	s5 =	sadd.s32 $0x200, s1;
	[dreg:$0x5] =	wrdreg s16;
	s16 =	simm.s32 $0x8880  }
.LBB2_1:
0x1c: {  	s0 =	rddreg [dreg:$0x4]  }
0x1d: {  	[tilespmem:s3], [sflag:$0x2] =	stream.linear.gather [hbm4b:s0+s3], $0x20, $0x38;
	[tilespmem:$0x10080] =	vst v63  }
0x1e: {  	_ =	swait.ge [sflag:s12], $0x20  }
0x1f: {  	[sflag:s12] =	ssyncset.done $0x0  }
0x20: {  	[sflag:s12] =	ssyncadd.s32 $0xFFFFFFE0  }
0x21: {  	v3 =	vld [tilespmem:$0x0];
	_ =	sdelay $0x4  }
0x22: {  	v4 =	vshll.u32 v3, $0x4  }
0x23: {  	v3 =	vand.u32 $0x7, v3;
	v4 =	vand.u32 $0xFFFFFF80, v4  }
0x24: {  	v3 =	vor.u32 v3, v4  }
0x25: {  	v4 =	vperm.xlane v3, v0;
	_ =	sdelay $0x1  }
0x26: {  	v4 =	vadd.s32 v1, v4;
	_ =	sdelay $0x4  }
0x27: {  	[tilespmem:s13], [sflag:$0x1] =	stream.indirect_vreg.gather [hbm4b:s1+s3], $0x80, v4, vm0, $0xb8;
	[tilespmem:$0x10080] =	vst v63  }
0x28: {  	s0 =	rddreg [dreg:$0x6]  }
0x29: {  	[tilespmem:s0], [sflag:$0x1] =	stream.indirect_vreg.gather [hbm4b:s4+s3], $0x80, v4, vm0, $0xb8;
	[tilespmem:$0x10080] =	vst v63  }
0x2a: {  	s14 =	rddreg [dreg:$0x7]  }
0x2b: {  	[tilespmem:s14], [sflag:$0x1] =	stream.indirect_vreg.gather [hbm4b:s5+s3], $0x80, v4, vm0, $0xb8;
	[tilespmem:$0x10080] =	vst v63  }
0x2c: {  	s0 =	rddreg [dreg:$0x8]  }
0x2d: {  	[tilespmem:s0], [sflag:$0x1] =	stream.indirect_vreg.gather [hbm4b:s6+s3], $0x80, v4, vm0, $0xb8;
	[tilespmem:$0x10080] =	vst v63  }
0x2e: {  	s14 =	rddreg [dreg:$0x9]  }
0x2f: {  	[tilespmem:s14], [sflag:$0x1] =	stream.indirect_vreg.gather [hbm4b:s7+s3], $0x80, v4, vm0, $0xb8;
	[tilespmem:$0x10080] =	vst v63  }
0x30: {  	v3 =	vperm.xlane v3, v2;
	s0 =	rddreg [dreg:$0xa]  }
0x31: {  	[tilespmem:s0], [sflag:$0x1] =	stream.indirect_vreg.gather [hbm4b:s8+s3], $0x80, v4, vm0, $0xb8;
	[tilespmem:$0x10080] =	vst v63  }
0x32: {  	v3 =	vadd.s32 v1, v3;
	s14 =	rddreg [dreg:$0xb]  }
0x33: {  	[tilespmem:s14], [sflag:$0x1] =	stream.indirect_vreg.gather [hbm4b:s9+s3], $0x80, v4, vm0, $0xb8;
	[tilespmem:$0x10080] =	vst v63  }
0x34: {  	s0 =	rddreg [dreg:$0xc]  }
0x35: {  	[tilespmem:s0], [sflag:$0x1] =	stream.indirect_vreg.gather [hbm4b:s10+s3], $0x80, v4, vm0, $0xb8;
	[tilespmem:$0x10080] =	vst v63  }
0x36: {  	s14 =	rddreg [dreg:$0xd]  }
0x37: {  	[tilespmem:s14], [sflag:$0x1] =	stream.indirect_vreg.gather [hbm4b:s1+s3], $0x80, v3, vm0, $0xb8;
	[tilespmem:$0x10080] =	vst v63  }
0x38: {  	s0 =	rddreg [dreg:$0xe]  }
0x39: {  	[tilespmem:s0], [sflag:$0x1] =	stream.indirect_vreg.gather [hbm4b:s4+s3], $0x80, v3, vm0, $0xb8;
	[tilespmem:$0x10080] =	vst v63  }
0x3a: {  	s14 =	rddreg [dreg:$0xf]  }
0x3b: {  	[tilespmem:s14], [sflag:$0x1] =	stream.indirect_vreg.gather [hbm4b:s5+s3], $0x80, v3, vm0, $0xb8;
	[tilespmem:$0x10080] =	vst v63  }
0x3c: {  	s0 =	rddreg [dreg:$0x10]  }
0x3d: {  	[tilespmem:s0], [sflag:$0x1] =	stream.indirect_vreg.gather [hbm4b:s6+s3], $0x80, v3, vm0, $0xb8;
	[tilespmem:$0x10080] =	vst v63  }
0x3e: {  	s14 =	rddreg [dreg:$0x11]  }
0x3f: {  	[tilespmem:s14], [sflag:$0x1] =	stream.indirect_vreg.gather [hbm4b:s7+s3], $0x80, v3, vm0, $0xb8;
	[tilespmem:$0x10080] =	vst v63  }
0x40: {  	s0 =	rddreg [dreg:$0x12]  }
0x41: {  	[tilespmem:s0], [sflag:$0x1] =	stream.indirect_vreg.gather [hbm4b:s8+s3], $0x80, v3, vm0, $0xb8;
	[tilespmem:$0x10080] =	vst v63  }
0x42: {  	s14 =	rddreg [dreg:$0x13]  }
0x43: {  	[tilespmem:s14], [sflag:$0x1] =	stream.indirect_vreg.gather [hbm4b:s9+s3], $0x80, v3, vm0, $0xb8;
	[tilespmem:$0x10080] =	vst v63  }
0x44: {  	s14 =	simm.s32 $0x7880  }
0x45: {  	[tilespmem:s14], [sflag:$0x1] =	stream.indirect_vreg.gather [hbm4b:s10+s3], $0x80, v3, vm0, $0xb8;
	[tilespmem:$0x10080] =	vst v63  }
0x46: {  	v3 =	vld [tilespmem:$0x10];
	_ =	sdelay $0x4  }
0x47: {  	v63 =	vshll.u32 v3, $0x4  }
0x48: {  	v3 =	vand.u32 $0x7, v3;
	v4 =	vand.u32 $0xFFFFFF80, v63  }
0x49: {  	v3 =	vor.u32 v3, v4  }
0x4a: {  	v4 =	vperm.xlane v3, v0;
	_ =	sdelay $0x1  }
0x4b: {  	v4 =	vadd.s32 v1, v4;
	_ =	sdelay $0x4  }
0x4c: {  	[tilespmem:s15], [sflag:$0x1] =	stream.indirect_vreg.gather [hbm4b:s1+s3], $0x80, v4, vm0, $0xb8;
	[tilespmem:$0x10080] =	vst v63  }
0x4d: {  	_ = 	snop  }
0x4e: {  	[tilespmem:s16], [sflag:$0x1] =	stream.indirect_vreg.gather [hbm4b:s4+s3], $0x80, v4, vm0, $0xb8;
	[tilespmem:$0x10080] =	vst v63  }
0x4f: {  	_ = 	snop  }
0x50: {  	[tilespmem:s17], [sflag:$0x1] =	stream.indirect_vreg.gather [hbm4b:s5+s3], $0x80, v4, vm0, $0xb8;
	[tilespmem:$0x10080] =	vst v63  }
0x51: {  	_ = 	snop  }
0x52: {  	[tilespmem:s18], [sflag:$0x1] =	stream.indirect_vreg.gather [hbm4b:s6+s3], $0x80, v4, vm0, $0xb8;
	[tilespmem:$0x10080] =	vst v63  }
0x53: {  	_ = 	snop  }
0x54: {  	[tilespmem:s19], [sflag:$0x1] =	stream.indirect_vreg.gather [hbm4b:s7+s3], $0x80, v4, vm0, $0xb8;
	[tilespmem:$0x10080] =	vst v63  }
0x55: {  	v3 =	vperm.xlane v3, v2  }
0x56: {  	[tilespmem:s20], [sflag:$0x1] =	stream.indirect_vreg.gather [hbm4b:s8+s3], $0x80, v4, vm0, $0xb8;
	[tilespmem:$0x10080] =	vst v63  }
0x57: {  	v3 =	vadd.s32 v1, v3  }
0x58: {  	[tilespmem:s21], [sflag:$0x1] =	stream.indirect_vreg.gather [hbm4b:s9+s3], $0x80, v4, vm0, $0xb8;
	[tilespmem:$0x10080] =	vst v63  }
0x59: {  	_ = 	snop  }
0x5a: {  	[tilespmem:s22], [sflag:$0x1] =	stream.indirect_vreg.gather [hbm4b:s10+s3], $0x80, v4, vm0, $0xb8;
	[tilespmem:$0x10080] =	vst v63  }
0x5b: {  	_ = 	snop  }
0x5c: {  	[tilespmem:s23], [sflag:$0x1] =	stream.indirect_vreg.gather [hbm4b:s1+s3], $0x80, v3, vm0, $0xb8;
	[tilespmem:$0x10080] =	vst v63  }
0x5d: {  	_ = 	snop  }
0x5e: {  	[tilespmem:s24], [sflag:$0x1] =	stream.indirect_vreg.gather [hbm4b:s4+s3], $0x80, v3, vm0, $0xb8;
	[tilespmem:$0x10080] =	vst v63  }
0x5f: {  	_ = 	snop  }
0x60: {  	[tilespmem:s25], [sflag:$0x1] =	stream.indirect_vreg.gather [hbm4b:s5+s3], $0x80, v3, vm0, $0xb8;
	[tilespmem:$0x10080] =	vst v63  }
0x61: {  	_ = 	snop  }
0x62: {  	[tilespmem:s26], [sflag:$0x1] =	stream.indirect_vreg.gather [hbm4b:s6+s3], $0x80, v3, vm0, $0xb8;
	[tilespmem:$0x10080] =	vst v63  }
0x63: {  	_ = 	snop  }
0x64: {  	[tilespmem:s28], [sflag:$0x1] =	stream.indirect_vreg.gather [hbm4b:s7+s3], $0x80, v3, vm0, $0xb8;
	[tilespmem:$0x10080] =	vst v63  }
0x65: {  	_ = 	snop  }
0x66: {  	[tilespmem:s29], [sflag:$0x1] =	stream.indirect_vreg.gather [hbm4b:s8+s3], $0x80, v3, vm0, $0xb8;
	[tilespmem:$0x10080] =	vst v63  }
0x67: {  	_ = 	snop  }
0x68: {  	[tilespmem:s30], [sflag:$0x1] =	stream.indirect_vreg.gather [hbm4b:s9+s3], $0x80, v3, vm0, $0xb8;
	[tilespmem:$0x10080] =	vst v63  }
0x69: {  	_ = 	snop  }
0x6a: {  	[tilespmem:s31], [sflag:$0x1] =	stream.indirect_vreg.gather [hbm4b:s10+s3], $0x80, v3, vm0, $0xb8;
	[tilespmem:$0x10080] =	vst v63  }
0x6b: {  	_ =	swait.ge [sflag:s2], $0x10000  }
0x6c: {  	p0 =	sne.s32 s11, $0x1;
	[sflag:s2] =	ssyncset.done $0x0  }
.Ltmp0:
0x6d: {  	s14 =	rddreg [dreg:$0x5];
	[sflag:s2] =	ssyncadd.s32 $0xFFFF0000;
	(pc) =	sbr.rel @p0 .LBB2_1-.Ltmp0, $4  }
0x6e: {  	[hbm4b:s14+s3] =	stream.linear.scatter [tilespmem:s13], [sflag:$0x2], $0x10000, $0x38;
	[tilespmem:$0x10080] =	vst v63  }
0x6f: {  	_ =	swait.ge [sflag:s12], $0x10000  }
0x70: {  	[sflag:s12] =	ssyncset.done $0x0  }
0x71: {  	s11 =	sadd.s32 $0xFFFFFFFF, s11;
	[sflag:s12] =	ssyncadd.s32 $0xFFFF0000  }
0x72: {  	_ =	sfence.sel $0x180000  }
0x73: {  	[bflag:$0x0] =	sbarrier.arrive $0xFFFF  }
0x74: {  	_ =	strace $0x90000047  }
0x75: {  	s0 =	stileid.u32;
	[bflag:$0x2] =	sbarrier.arrive $0xFFFF  }
0x76: {  	p0 =	sne.s32 s0, $0x0;
	s0 =	rddreg [dreg:$0x3]  }
0x77: {  	s0 =	sadd.s32 @!p0 $0x100000, s0  }
0x78: {  	[sflag:s0] =	ssyncadd.tile.s32 @!p0 $0x1;
	_ =	shalt  }
.Lfunc_end2:
_tile_overlayer_lowered:
.L_overlay_start_2:
0x79: {  	(tag) =	ssettag $0x2  }
0x7a: {  	s0 =	rddreg [dreg:$0x0];
	s2 =	stileid.u32  }
0x7b: {  	s1 =	rddreg [dreg:$0x1];
	p0 =	sne.s32 s2, $0x0  }
0x7c: {  	s3 =	rddreg [dreg:$0x2];
	[bflag:$0x3] =	sbarrier.arrive $0xFFFF;
	s2 =	simm.s32 @!p0 $0x1C02  }
0x7d: {  	[timem:s3], [sflag:s2] =	dma.local @!p0 [hbm:s0], s1  }
0x7e: {  	s0 =	simm.s32 @!p0 $0x2  }
0x7f: {  	_ =	swait.ge @!p0 [sflag:s0], s1  }
0x80: {  	s1 =	ssub.s32 @!p0 $0x0, s1;
	[sflag:s0] =	ssyncset.done @!p0 $0x0  }
0x81: {  	[sflag:s0] =	ssyncadd.s32 @!p0 s1  }
0x82: {  	[bflag:$0x3] =	sbarrier.arrive $0xFFFF  }
0x83: {  	_ =	shalt  }

</sc_bundles>
